<compile_context>
chip_gen: v7x
topology: tpu7x:2x2x1
jax: 0.10.2.dev20260603
libtpu: 0.0.44.dev20260713+nightly
codegen_flags: <defaults>
</compile_context>

<pallas_src>
import functools

import jax
import jax.numpy as jnp
from jax import lax
from jax.experimental import pallas as pl
from jax.experimental.pallas import tpu as pltpu
from jax.experimental.pallas import tpu_sc as plsc

_D = 128
_NC, _NS, _L = 2, 16, 16
_NW = _NC * _NS
_CHUNK_IR = 2
_CHUNK = _CHUNK_IR * 128


@functools.lru_cache(maxsize=None)
def _make_kernel(B, V):
    assert B % (_NW * _CHUNK) == 0, B
    rows_per_w = B // _NW
    ir_per_w = rows_per_w // 128
    n_chunks = rows_per_w // _CHUNK

    mesh = plsc.VectorSubcoreMesh(core_axis_name="c", subcore_axis_name="s")

    @functools.partial(
        pl.kernel,
        mesh=mesh,
        compiler_params=pltpu.CompilerParams(
            needs_layout_passes=False, use_tc_tiling_on_sc=False),
        out_type=jax.ShapeDtypeStruct((B, _D), jnp.float32),
        scratch_types=[
            pltpu.VMEM((_CHUNK_IR, 128), jnp.int32),
            pltpu.VMEM((_CHUNK, _D), jnp.int8),
            pltpu.VMEM((_CHUNK, _D), jnp.float32),
            pltpu.VMEM((_L,), jnp.float32),
            pltpu.SemaphoreType.DMA,
        ],
    )
    def k(idx_hbm, tbl_hbm, scale_hbm, out_hbm, idx_v, rows_v, out_v,
          scale_v, sem):
        wid = lax.axis_index("s") * _NC + lax.axis_index("c")
        pltpu.sync_copy(scale_hbm, scale_v)
        s = scale_v[...]
        lane4 = 4 * lax.iota(jnp.int32, _L)
        cols = [lane4 + (64 * h + kk) for h in range(2) for kk in range(4)]

        def do_chunk(i, carry):
            ir0 = wid * ir_per_w + i * _CHUNK_IR
            pltpu.sync_copy(idx_hbm.at[pl.ds(ir0, _CHUNK_IR)], idx_v)
            cps = [
                pltpu.async_copy(
                    tbl_hbm.at[idx_v.at[j]],
                    rows_v.at[pl.ds(j * 128, 128)],
                    sem,
                )
                for j in range(_CHUNK_IR)
            ]
            for cp in cps:
                cp.wait()

            def do_row(r, c2):
                rsplat = jnp.full((_L,), r, jnp.int32)
                for h in range(2):
                    w8 = rows_v[r, pl.ds(64 * h, 64)]
                    w = plsc.bitcast(w8, jnp.int32)
                    for kk in range(4):
                        t = (w << (24 - 8 * kk)) >> 24
                        f = t.astype(jnp.float32) * s
                        plsc.store_scatter(
                            out_v, [rsplat, cols[4 * h + kk]], f)
                return c2

            lax.fori_loop(0, _CHUNK, do_row, 0)
            row0 = wid * rows_per_w + i * _CHUNK
            pltpu.sync_copy(out_v, out_hbm.at[pl.ds(row0, _CHUNK)])
            return carry

        lax.fori_loop(0, n_chunks, do_chunk, 0)

    return k


def kernel(input, quantized_weight, weight_scale):
    B = input.size
    idx2 = input.reshape(B // 128, 128).astype(jnp.int32)
    scale = jnp.broadcast_to(
        jnp.asarray(weight_scale, jnp.float32).reshape(1), (_L,))
    out = _make_kernel(B, quantized_weight.shape[0])(
        idx2, quantized_weight, scale)
    return out.reshape(input.shape + (_D,))

# --- scband reference (transcript-rebuilt; emitter-appended) ---
"""Pipeline reference for scband-quantized-embedding-20555713479188 (READ-ONLY COPY).

The authoritative reference and input builder live on the scoring server;
editing this copy changes nothing except your own understanding.
"""

import jax, jax.numpy as jnp
import numpy as np

NUM_EMBEDDINGS = 100000
EMBEDDING_DIM = 128
WEIGHT_SCALE = 0.05
WEIGHT_ZERO_POINT = 0

def setup_inputs(seed: int = 0) -> dict:
    key = jax.random.key(seed)
    k1, k2 = jax.random.split(key)
    input = jax.random.randint(k1, (4096, 50), 0, NUM_EMBEDDINGS, dtype=jnp.int64 if jax.config.read('jax_enable_x64') else jnp.int32)
    # quantized int8 embedding table (buffer, not differentiable)
    quantized_weight = jax.random.randint(k2, (NUM_EMBEDDINGS, EMBEDDING_DIM), -128, 128, dtype=jnp.int32).astype(jnp.int8)
    weight_scale = jnp.asarray(WEIGHT_SCALE, dtype=jnp.float32)
    return {"input": input, "quantized_weight": quantized_weight, "weight_scale": weight_scale}

def reference(input, quantized_weight, weight_scale):
    # dequantize full table: scale * (q.float() - zero_point)
    weight = weight_scale * (quantized_weight.astype(jnp.float32) - WEIGHT_ZERO_POINT)
    # F.embedding(input, weight) -> gather rows
    return jnp.take(weight, input, axis=0)

if __name__ == "__main__":
    import jax
    _d = setup_inputs()
    print(jax.jit(kernel)(*tuple(_d.values())))

</pallas_src>

<mosaic_0001>
#map = affine_map<(d0, d1) -> (0, 0)>
#map1 = affine_map<(d0, d1) -> (0)>
module attributes {stable_mosaic.version = 14 : i64} {
  func.func @k(%arg0: i32, %arg1: i32, %arg2: memref<1600x128xi32, #tpu.memory_space<hbm>>, %arg3: memref<100000x128xi8, #tpu.memory_space<hbm>>, %arg4: memref<16xf32, #tpu.memory_space<hbm>>, %arg5: memref<204800x128xf32, #tpu.memory_space<hbm>>, %arg6: memref<2x128xi32, #tpu.memory_space<vmem>>, %arg7: memref<256x128xi8, #tpu.memory_space<vmem>>, %arg8: memref<256x128xf32, #tpu.memory_space<vmem>>, %arg9: memref<16xf32, #tpu.memory_space<vmem>>, %arg10: memref<!tpu.dma_semaphore, #tpu.memory_space<semaphore_mem>>) attributes {dimension_semantics = [#tpu.dimension_semantics<core_parallel>, #tpu.dimension_semantics<subcore_parallel>], iteration_bounds = array<i64: 2, 16>, scalar_prefetch = 0 : i64, scratch_operands = 5 : i64, tpu.core_type = #tpu.core_type<sc_vector_subcore>, window_params = [{transform_indices = #map}, {transform_indices = #map}, {transform_indices = #map1}, {transform_indices = #map}]} {
    %mul3A = arith.constant 2 : i32
    %mul3A_0 = arith.muli %arg1, %mul3A : i32
    %add3A = arith.addi %mul3A_0, %arg0 : i32
    "tpu.region"() ({
      %run_scoped3A = tpu.sem_alloc : memref<!tpu.dma_semaphore, #tpu.memory_space<semaphore_mem>>
      tpu.enqueue_dma source(%arg4 : memref<16xf32, #tpu.memory_space<hbm>>) target(%arg9 : memref<16xf32, #tpu.memory_space<vmem>>) target_semaphore(%run_scoped3A : memref<!tpu.dma_semaphore, #tpu.memory_space<semaphore_mem>>)
      tpu.wait_dma2 semaphore(%run_scoped3A : memref<!tpu.dma_semaphore, #tpu.memory_space<semaphore_mem>>) src(%arg4 : memref<16xf32, #tpu.memory_space<hbm>>) dst(%arg9 : memref<16xf32, #tpu.memory_space<vmem>>)
      tpu.yield
    }) : () -> ()
    %get3A = arith.constant 0 : index
    %get3A_1 = tpu.vector_load %arg9[%get3A] {strides = array<i32>} : memref<16xf32, #tpu.memory_space<vmem>>, vector<16xf32>,
    %iota3A = tpu.iota {dimensions = array<i32: 0>} : vector<16xi32>
    %mul3A_2 = arith.constant 4 : i32
    %mul3A_3 = vector.broadcast %mul3A_2 : i32 to vector<16xi32>
    %mul3A_4 = arith.muli %mul3A_3, %iota3A : vector<16xi32>
    %add3A_5 = arith.constant 0 : i32
    %add3A_6 = vector.broadcast %add3A_5 : i32 to vector<16xi32>
    %add3A_7 = arith.addi %mul3A_4, %add3A_6 : vector<16xi32>
    %add3A_8 = arith.constant 1 : i32
    %add3A_9 = vector.broadcast %add3A_8 : i32 to vector<16xi32>
    %add3A_10 = arith.addi %mul3A_4, %add3A_9 : vector<16xi32>
    %add3A_11 = arith.constant 2 : i32
    %add3A_12 = vector.broadcast %add3A_11 : i32 to vector<16xi32>
    %add3A_13 = arith.addi %mul3A_4, %add3A_12 : vector<16xi32>
    %add3A_14 = arith.constant 3 : i32
    %add3A_15 = vector.broadcast %add3A_14 : i32 to vector<16xi32>
    %add3A_16 = arith.addi %mul3A_4, %add3A_15 : vector<16xi32>
    %add3A_17 = arith.constant 64 : i32
    %add3A_18 = vector.broadcast %add3A_17 : i32 to vector<16xi32>
    %add3A_19 = arith.addi %mul3A_4, %add3A_18 : vector<16xi32>
    %add3A_20 = arith.constant 65 : i32
    %add3A_21 = vector.broadcast %add3A_20 : i32 to vector<16xi32>
    %add3A_22 = arith.addi %mul3A_4, %add3A_21 : vector<16xi32>
    %add3A_23 = arith.constant 66 : i32
    %add3A_24 = vector.broadcast %add3A_23 : i32 to vector<16xi32>
    %add3A_25 = arith.addi %mul3A_4, %add3A_24 : vector<16xi32>
    %add3A_26 = arith.constant 67 : i32
    %add3A_27 = vector.broadcast %add3A_26 : i32 to vector<16xi32>
    %add3A_28 = arith.addi %mul3A_4, %add3A_27 : vector<16xi32>
    %scan3A = arith.constant 0 : i32
    %scan3A_29 = arith.constant 0 : i32
    %scan3A_30 = arith.constant 25 : i32
    %scan3A_31 = arith.addi %scan3A_29, %scan3A_30 : i32
    %scan3A_32 = arith.constant 1 : i32
    scf.for %scan3A_34 = %scan3A_29 to %scan3A_31 step %scan3A_32  : i32 {
      %mul3A_35 = arith.constant 50 : i32
      %mul3A_36 = arith.muli %add3A, %mul3A_35 : i32
      %mul3A_37 = arith.constant 2 : i32
      %mul3A_38 = arith.muli %scan3A_34, %mul3A_37 : i32
      %add3A_39 = arith.addi %mul3A_36, %mul3A_38 : i32
      "tpu.region"() ({
        %run_scoped3A = tpu.sem_alloc : memref<!tpu.dma_semaphore, #tpu.memory_space<semaphore_mem>>
        %dma_start3A_89 = arith.constant 0 : i32
        %dma_start3A_90 = tpu.memref_slice %arg2[%add3A_39, %dma_start3A_89] : memref<1600x128xi32, #tpu.memory_space<hbm>> -> memref<2x128xi32, #tpu.memory_space<hbm>>
        %dma_start3A_91 = arith.constant 0 : i32
        %dma_start3A_92 = tpu.memref_slice %arg2[%add3A_39, %dma_start3A_91] : memref<1600x128xi32, #tpu.memory_space<hbm>> -> memref<2x128xi32, #tpu.memory_space<hbm>>
        tpu.enqueue_dma source(%dma_start3A_92 : memref<2x128xi32, #tpu.memory_space<hbm>>) target(%arg6 : memref<2x128xi32, #tpu.memory_space<vmem>>) target_semaphore(%run_scoped3A : memref<!tpu.dma_semaphore, #tpu.memory_space<semaphore_mem>>)
        %dma_wait3A_93 = arith.constant 0 : i32
        %dma_wait3A_94 = tpu.memref_slice %arg2[%add3A_39, %dma_wait3A_93] : memref<1600x128xi32, #tpu.memory_space<hbm>> -> memref<2x128xi32, #tpu.memory_space<hbm>>
        %dma_wait3A_95 = arith.constant 0 : i32
        %dma_wait3A_96 = tpu.memref_slice %arg2[%add3A_39, %dma_wait3A_95] : memref<1600x128xi32, #tpu.memory_space<hbm>> -> memref<2x128xi32, #tpu.memory_space<hbm>>
        tpu.wait_dma2 semaphore(%run_scoped3A : memref<!tpu.dma_semaphore, #tpu.memory_space<semaphore_mem>>) src(%dma_wait3A_96 : memref<2x128xi32, #tpu.memory_space<hbm>>) dst(%arg6 : memref<2x128xi32, #tpu.memory_space<vmem>>)
        tpu.yield
      }) : () -> ()
      %dma_start3A = arith.constant 0 : i32
      %dma_start3A_40 = arith.constant 0 : i32
      %dma_start3A_41 = arith.constant 0 : i32
      %dma_start3A_42 = tpu.memref_slice %arg7[%dma_start3A_40, %dma_start3A_41] : memref<256x128xi8, #tpu.memory_space<vmem>> -> memref<128x128xi8, #tpu.memory_space<vmem>>
      %dma_start3A_43 = arith.constant 0 : i32
      %dma_start3A_44 = tpu.memref_slice %arg6[%dma_start3A, %dma_start3A_43] : memref<2x128xi32, #tpu.memory_space<vmem>> -> memref<1x128xi32, #tpu.memory_space<vmem>>
      %dma_start3A_45 = tpu.memref_squeeze %dma_start3A_44 : memref<1x128xi32, #tpu.memory_space<vmem>> -> memref<128xi32, #tpu.memory_space<vmem>>
      %dma_start3A_46 = arith.constant 0 : i32
      %dma_start3A_47 = arith.constant 0 : i32
      %dma_start3A_48 = tpu.memref_slice %arg3[%dma_start3A_46, %dma_start3A_47] : memref<100000x128xi8, #tpu.memory_space<hbm>> -> memref<100000x128xi8, #tpu.memory_space<hbm>>
      tpu.enqueue_indirect_dma source(%dma_start3A_48 : memref<100000x128xi8, #tpu.memory_space<hbm>>) target(%dma_start3A_42 : memref<128x128xi8, #tpu.memory_space<vmem>>) offsets(%dma_start3A_45 : memref<128xi32, #tpu.memory_space<vmem>>) semaphore(%arg10 : memref<!tpu.dma_semaphore, #tpu.memory_space<semaphore_mem>>)
      %dma_start3A_49 = arith.constant 1 : i32
      %dma_start3A_50 = arith.constant 128 : i32
      %dma_start3A_51 = arith.constant 0 : i32
      %dma_start3A_52 = tpu.memref_slice %arg7[%dma_start3A_50, %dma_start3A_51] : memref<256x128xi8, #tpu.memory_space<vmem>> -> memref<128x128xi8, #tpu.memory_space<vmem>>
      %dma_start3A_53 = arith.constant 0 : i32
      %dma_start3A_54 = tpu.memref_slice %arg6[%dma_start3A_49, %dma_start3A_53] : memref<2x128xi32, #tpu.memory_space<vmem>> -> memref<1x128xi32, #tpu.memory_space<vmem>>
      %dma_start3A_55 = tpu.memref_squeeze %dma_start3A_54 : memref<1x128xi32, #tpu.memory_space<vmem>> -> memref<128xi32, #tpu.memory_space<vmem>>
      %dma_start3A_56 = arith.constant 0 : i32
      %dma_start3A_57 = arith.constant 0 : i32
      %dma_start3A_58 = tpu.memref_slice %arg3[%dma_start3A_56, %dma_start3A_57] : memref<100000x128xi8, #tpu.memory_space<hbm>> -> memref<100000x128xi8, #tpu.memory_space<hbm>>
      tpu.enqueue_indirect_dma source(%dma_start3A_58 : memref<100000x128xi8, #tpu.memory_space<hbm>>) target(%dma_start3A_52 : memref<128x128xi8, #tpu.memory_space<vmem>>) offsets(%dma_start3A_55 : memref<128xi32, #tpu.memory_space<vmem>>) semaphore(%arg10 : memref<!tpu.dma_semaphore, #tpu.memory_space<semaphore_mem>>)
      %dma_wait3A = arith.constant 0 : i32
      %dma_wait3A_59 = arith.constant 0 : i32
      %dma_wait3A_60 = arith.constant 0 : i32
      %dma_wait3A_61 = tpu.memref_slice %arg7[%dma_wait3A_59, %dma_wait3A_60] : memref<256x128xi8, #tpu.memory_space<vmem>> -> memref<128x128xi8, #tpu.memory_space<vmem>>
      %dma_wait3A_62 = arith.constant 0 : i32
      %dma_wait3A_63 = tpu.memref_slice %arg6[%dma_wait3A, %dma_wait3A_62] : memref<2x128xi32, #tpu.memory_space<vmem>> -> memref<1x128xi32, #tpu.memory_space<vmem>>
      %dma_wait3A_64 = tpu.memref_squeeze %dma_wait3A_63 : memref<1x128xi32, #tpu.memory_space<vmem>> -> memref<128xi32, #tpu.memory_space<vmem>>
      %dma_wait3A_65 = arith.constant 0 : i32
      %dma_wait3A_66 = arith.constant 0 : i32
      %dma_wait3A_67 = tpu.memref_slice %arg3[%dma_wait3A_65, %dma_wait3A_66] : memref<100000x128xi8, #tpu.memory_space<hbm>> -> memref<100000x128xi8, #tpu.memory_space<hbm>>
      tpu.wait_indirect_dma semaphore(%arg10 : memref<!tpu.dma_semaphore, #tpu.memory_space<semaphore_mem>>) src(%dma_wait3A_67 : memref<100000x128xi8, #tpu.memory_space<hbm>>) dst(%dma_wait3A_61 : memref<128x128xi8, #tpu.memory_space<vmem>>)
      %dma_wait3A_68 = arith.constant 1 : i32
      %dma_wait3A_69 = arith.constant 128 : i32
      %dma_wait3A_70 = arith.constant 0 : i32
      %dma_wait3A_71 = tpu.memref_slice %arg7[%dma_wait3A_69, %dma_wait3A_70] : memref<256x128xi8, #tpu.memory_space<vmem>> -> memref<128x128xi8, #tpu.memory_space<vmem>>
      %dma_wait3A_72 = arith.constant 0 : i32
      %dma_wait3A_73 = tpu.memref_slice %arg6[%dma_wait3A_68, %dma_wait3A_72] : memref<2x128xi32, #tpu.memory_space<vmem>> -> memref<1x128xi32, #tpu.memory_space<vmem>>
      %dma_wait3A_74 = tpu.memref_squeeze %dma_wait3A_73 : memref<1x128xi32, #tpu.memory_space<vmem>> -> memref<128xi32, #tpu.memory_space<vmem>>
      %dma_wait3A_75 = arith.constant 0 : i32
      %dma_wait3A_76 = arith.constant 0 : i32
      %dma_wait3A_77 = tpu.memref_slice %arg3[%dma_wait3A_75, %dma_wait3A_76] : memref<100000x128xi8, #tpu.memory_space<hbm>> -> memref<100000x128xi8, #tpu.memory_space<hbm>>
      tpu.wait_indirect_dma semaphore(%arg10 : memref<!tpu.dma_semaphore, #tpu.memory_space<semaphore_mem>>) src(%dma_wait3A_77 : memref<100000x128xi8, #tpu.memory_space<hbm>>) dst(%dma_wait3A_71 : memref<128x128xi8, #tpu.memory_space<vmem>>)
      %scan3A_78 = arith.constant 0 : i32
      %scan3A_79 = arith.constant 0 : i32
      %scan3A_80 = arith.constant 256 : i32
      %scan3A_81 = arith.addi %scan3A_79, %scan3A_80 : i32
      %scan3A_82 = arith.constant 1 : i32
      scf.for %scan3A_89 = %scan3A_79 to %scan3A_81 step %scan3A_82  : i32 {
        %broadcast_in_dim3A = vector.broadcast %scan3A_89 : i32 to vector<16xi32>
        %get3A_90 = arith.index_cast %scan3A_89 : i32 to index
        %get3A_91 = arith.constant 0 : index
        %get3A_92 = tpu.vector_load %arg7[%get3A_90, %get3A_91] {strides = array<i32>} : memref<256x128xi8, #tpu.memory_space<vmem>>, vector<64xi8>,
        %bitcast3A = vector.bitcast %get3A_92 : vector<64xi8> to vector<16xi32>
        %shift_left3A = arith.constant 24 : i32
        %shift_left3A_93 = vector.broadcast %shift_left3A : i32 to vector<16xi32>
        %shift_left3A_94 = arith.shli %bitcast3A, %shift_left3A_93 : vector<16xi32>
        %shift_right_arithmetic3A = arith.constant 24 : i32
        %shift_right_arithmetic3A_95 = vector.broadcast %shift_right_arithmetic3A : i32 to vector<16xi32>
        %shift_right_arithmetic3A_96 = arith.shrsi %shift_left3A_94, %shift_right_arithmetic3A_95 : vector<16xi32>
        %convert_element_type3A = arith.sitofp %shift_right_arithmetic3A_96 : vector<16xi32> to vector<16xf32>
        %mul3A_97 = arith.mulf %convert_element_type3A, %get3A_1 : vector<16xf32>
        tpu.vector_store_idx %arg8[%broadcast_in_dim3A, %add3A_7], %mul3A_97 : memref<256x128xf32, #tpu.memory_space<vmem>>[vector<16xi32>, vector<16xi32>], vector<16xf32>,
        %shift_left3A_98 = arith.constant 16 : i32
        %shift_left3A_99 = vector.broadcast %shift_left3A_98 : i32 to vector<16xi32>
        %shift_left3A_100 = arith.shli %bitcast3A, %shift_left3A_99 : vector<16xi32>
        %shift_right_arithmetic3A_101 = arith.constant 24 : i32
        %shift_right_arithmetic3A_102 = vector.broadcast %shift_right_arithmetic3A_101 : i32 to vector<16xi32>
        %shift_right_arithmetic3A_103 = arith.shrsi %shift_left3A_100, %shift_right_arithmetic3A_102 : vector<16xi32>
        %convert_element_type3A_104 = arith.sitofp %shift_right_arithmetic3A_103 : vector<16xi32> to vector<16xf32>
        %mul3A_105 = arith.mulf %convert_element_type3A_104, %get3A_1 : vector<16xf32>
        tpu.vector_store_idx %arg8[%broadcast_in_dim3A, %add3A_10], %mul3A_105 : memref<256x128xf32, #tpu.memory_space<vmem>>[vector<16xi32>, vector<16xi32>], vector<16xf32>,
        %shift_left3A_106 = arith.constant 8 : i32
        %shift_left3A_107 = vector.broadcast %shift_left3A_106 : i32 to vector<16xi32>
        %shift_left3A_108 = arith.shli %bitcast3A, %shift_left3A_107 : vector<16xi32>
        %shift_right_arithmetic3A_109 = arith.constant 24 : i32
        %shift_right_arithmetic3A_110 = vector.broadcast %shift_right_arithmetic3A_109 : i32 to vector<16xi32>
        %shift_right_arithmetic3A_111 = arith.shrsi %shift_left3A_108, %shift_right_arithmetic3A_110 : vector<16xi32>
        %convert_element_type3A_112 = arith.sitofp %shift_right_arithmetic3A_111 : vector<16xi32> to vector<16xf32>
        %mul3A_113 = arith.mulf %convert_element_type3A_112, %get3A_1 : vector<16xf32>
        tpu.vector_store_idx %arg8[%broadcast_in_dim3A, %add3A_13], %mul3A_113 : memref<256x128xf32, #tpu.memory_space<vmem>>[vector<16xi32>, vector<16xi32>], vector<16xf32>,
        %shift_left3A_114 = arith.constant 0 : i32
        %shift_left3A_115 = vector.broadcast %shift_left3A_114 : i32 to vector<16xi32>
        %shift_left3A_116 = arith.shli %bitcast3A, %shift_left3A_115 : vector<16xi32>
        %shift_right_arithmetic3A_117 = arith.constant 24 : i32
        %shift_right_arithmetic3A_118 = vector.broadcast %shift_right_arithmetic3A_117 : i32 to vector<16xi32>
        %shift_right_arithmetic3A_119 = arith.shrsi %shift_left3A_116, %shift_right_arithmetic3A_118 : vector<16xi32>
        %convert_element_type3A_120 = arith.sitofp %shift_right_arithmetic3A_119 : vector<16xi32> to vector<16xf32>
        %mul3A_121 = arith.mulf %convert_element_type3A_120, %get3A_1 : vector<16xf32>
        tpu.vector_store_idx %arg8[%broadcast_in_dim3A, %add3A_16], %mul3A_121 : memref<256x128xf32, #tpu.memory_space<vmem>>[vector<16xi32>, vector<16xi32>], vector<16xf32>,
        %get3A_122 = arith.index_cast %scan3A_89 : i32 to index
        %get3A_123 = arith.constant 64 : index
        %get3A_124 = tpu.vector_load %arg7[%get3A_122, %get3A_123] {strides = array<i32>} : memref<256x128xi8, #tpu.memory_space<vmem>>, vector<64xi8>,
        %bitcast3A_125 = vector.bitcast %get3A_124 : vector<64xi8> to vector<16xi32>
        %shift_left3A_126 = arith.constant 24 : i32
        %shift_left3A_127 = vector.broadcast %shift_left3A_126 : i32 to vector<16xi32>
        %shift_left3A_128 = arith.shli %bitcast3A_125, %shift_left3A_127 : vector<16xi32>
        %shift_right_arithmetic3A_129 = arith.constant 24 : i32
        %shift_right_arithmetic3A_130 = vector.broadcast %shift_right_arithmetic3A_129 : i32 to vector<16xi32>
        %shift_right_arithmetic3A_131 = arith.shrsi %shift_left3A_128, %shift_right_arithmetic3A_130 : vector<16xi32>
        %convert_element_type3A_132 = arith.sitofp %shift_right_arithmetic3A_131 : vector<16xi32> to vector<16xf32>
        %mul3A_133 = arith.mulf %convert_element_type3A_132, %get3A_1 : vector<16xf32>
        tpu.vector_store_idx %arg8[%broadcast_in_dim3A, %add3A_19], %mul3A_133 : memref<256x128xf32, #tpu.memory_space<vmem>>[vector<16xi32>, vector<16xi32>], vector<16xf32>,
        %shift_left3A_134 = arith.constant 16 : i32
        %shift_left3A_135 = vector.broadcast %shift_left3A_134 : i32 to vector<16xi32>
        %shift_left3A_136 = arith.shli %bitcast3A_125, %shift_left3A_135 : vector<16xi32>
        %shift_right_arithmetic3A_137 = arith.constant 24 : i32
        %shift_right_arithmetic3A_138 = vector.broadcast %shift_right_arithmetic3A_137 : i32 to vector<16xi32>
        %shift_right_arithmetic3A_139 = arith.shrsi %shift_left3A_136, %shift_right_arithmetic3A_138 : vector<16xi32>
        %convert_element_type3A_140 = arith.sitofp %shift_right_arithmetic3A_139 : vector<16xi32> to vector<16xf32>
        %mul3A_141 = arith.mulf %convert_element_type3A_140, %get3A_1 : vector<16xf32>
        tpu.vector_store_idx %arg8[%broadcast_in_dim3A, %add3A_22], %mul3A_141 : memref<256x128xf32, #tpu.memory_space<vmem>>[vector<16xi32>, vector<16xi32>], vector<16xf32>,
        %shift_left3A_142 = arith.constant 8 : i32
        %shift_left3A_143 = vector.broadcast %shift_left3A_142 : i32 to vector<16xi32>
        %shift_left3A_144 = arith.shli %bitcast3A_125, %shift_left3A_143 : vector<16xi32>
        %shift_right_arithmetic3A_145 = arith.constant 24 : i32
        %shift_right_arithmetic3A_146 = vector.broadcast %shift_right_arithmetic3A_145 : i32 to vector<16xi32>
        %shift_right_arithmetic3A_147 = arith.shrsi %shift_left3A_144, %shift_right_arithmetic3A_146 : vector<16xi32>
        %convert_element_type3A_148 = arith.sitofp %shift_right_arithmetic3A_147 : vector<16xi32> to vector<16xf32>
        %mul3A_149 = arith.mulf %convert_element_type3A_148, %get3A_1 : vector<16xf32>
        tpu.vector_store_idx %arg8[%broadcast_in_dim3A, %add3A_25], %mul3A_149 : memref<256x128xf32, #tpu.memory_space<vmem>>[vector<16xi32>, vector<16xi32>], vector<16xf32>,
        %shift_left3A_150 = arith.constant 0 : i32
        %shift_left3A_151 = vector.broadcast %shift_left3A_150 : i32 to vector<16xi32>
        %shift_left3A_152 = arith.shli %bitcast3A_125, %shift_left3A_151 : vector<16xi32>
        %shift_right_arithmetic3A_153 = arith.constant 24 : i32
        %shift_right_arithmetic3A_154 = vector.broadcast %shift_right_arithmetic3A_153 : i32 to vector<16xi32>
        %shift_right_arithmetic3A_155 = arith.shrsi %shift_left3A_152, %shift_right_arithmetic3A_154 : vector<16xi32>
        %convert_element_type3A_156 = arith.sitofp %shift_right_arithmetic3A_155 : vector<16xi32> to vector<16xf32>
        %mul3A_157 = arith.mulf %convert_element_type3A_156, %get3A_1 : vector<16xf32>
        tpu.vector_store_idx %arg8[%broadcast_in_dim3A, %add3A_28], %mul3A_157 : memref<256x128xf32, #tpu.memory_space<vmem>>[vector<16xi32>, vector<16xi32>], vector<16xf32>,
      }
      %scan3A_83 = arith.constant 256 : i32
      %mul3A_84 = arith.constant 6400 : i32
      %mul3A_85 = arith.muli %add3A, %mul3A_84 : i32
      %mul3A_86 = arith.constant 256 : i32
      %mul3A_87 = arith.muli %scan3A_34, %mul3A_86 : i32
      %add3A_88 = arith.addi %mul3A_85, %mul3A_87 : i32
      "tpu.region"() ({
        %run_scoped3A = tpu.sem_alloc : memref<!tpu.dma_semaphore, #tpu.memory_space<semaphore_mem>>
        %dma_start3A_89 = arith.constant 0 : i32
        %dma_start3A_90 = tpu.memref_slice %arg5[%add3A_88, %dma_start3A_89] : memref<204800x128xf32, #tpu.memory_space<hbm>> -> memref<256x128xf32, #tpu.memory_space<hbm>>
        %dma_start3A_91 = arith.constant 0 : i32
        %dma_start3A_92 = tpu.memref_slice %arg5[%add3A_88, %dma_start3A_91] : memref<204800x128xf32, #tpu.memory_space<hbm>> -> memref<256x128xf32, #tpu.memory_space<hbm>>
        tpu.enqueue_dma source(%arg8 : memref<256x128xf32, #tpu.memory_space<vmem>>) target(%dma_start3A_92 : memref<256x128xf32, #tpu.memory_space<hbm>>) target_semaphore(%run_scoped3A : memref<!tpu.dma_semaphore, #tpu.memory_space<semaphore_mem>>)
        %dma_wait3A_93 = arith.constant 0 : i32
        %dma_wait3A_94 = tpu.memref_slice %arg5[%add3A_88, %dma_wait3A_93] : memref<204800x128xf32, #tpu.memory_space<hbm>> -> memref<256x128xf32, #tpu.memory_space<hbm>>
        %dma_wait3A_95 = arith.constant 0 : i32
        %dma_wait3A_96 = tpu.memref_slice %arg5[%add3A_88, %dma_wait3A_95] : memref<204800x128xf32, #tpu.memory_space<hbm>> -> memref<256x128xf32, #tpu.memory_space<hbm>>
        tpu.wait_dma2 semaphore(%run_scoped3A : memref<!tpu.dma_semaphore, #tpu.memory_space<semaphore_mem>>) src(%arg8 : memref<256x128xf32, #tpu.memory_space<vmem>>) dst(%dma_wait3A_96 : memref<256x128xf32, #tpu.memory_space<hbm>>)
        tpu.yield
      }) : () -> ()
    }
    %scan3A_33 = arith.constant 25 : i32
    return
  }
}

</mosaic_0001>

<sc_bundles>
// kernel: kernel.3.cloned.1.call-start
scs
__scs_entry_jumppad:
0x0: {  	(pc) =	sbr.rel $0x88, $3  }
0x1: {  	(tag) =	ssettag $0x0;
	lr =	simm.s32 $0x1  }
0x2: {  	[smem:$0x3F9E] =	sst lr;
	_ =	strace $0xD0000000  }
0x3: {  	_ = 	snop  }
0x4: {  	_ = 	snop  }
0x5: {  	_ = 	snop  }
0x6: {  	_ = 	snop  }
0x7: {  	_ = 	snop  }
__scs_overlays_trampoline_lowered:
0x8: {  	[smem:$0x3FAD] =	sst s0  }
0x9: {  	[smem:$0x3FAE] =	sst s1  }
0xa: {  	[smem:$0x3FAF] =	sst s2  }
0xb: {  	[smem:$0x3FB0] =	sst s3  }
0xc: {  	[smem:$0x3FB1] =	sst s4  }
0xd: {  	[smem:$0x3FB2] =	sst s5  }
0xe: {  	[smem:$0x3FB3] =	sst s6  }
0xf: {  	[smem:$0x3FB4] =	sst s7  }
0x10: {  	[smem:$0x3FB5] =	sst s8  }
0x11: {  	[smem:$0x3FB6] =	sst s9;
	s0 =	simm.s32 @!p0 $0x0  }
0x12: {  	s1 =	sld [smem:$0x3F9C];
	s0 =	simm.s32 @p0 $0x1  }
0x13: {  	[smem:$0x3FB7] =	sst s0;
	s0 =	simm.s32 @!p1 $0x0  }
0x14: {  	s2 =	sld [smem:$0x3F9B];
	s0 =	simm.s32 @p1 $0x1  }
0x15: {  	[smem:$0x3FB8] =	sst s0;
	s0 =	simm.s32 @!p2 $0x0  }
0x16: {  	s3 =	sld [smem:$0x3FDB];
	s0 =	simm.s32 @p2 $0x1  }
0x17: {  	s4 =	simm.s32 $0x1BF5;
	[smem:$0x3FBA] =	sst s0  }
0x18: {  	s0 =	sld [smem:$0x3F9D];
	_ =	swait.ge [sflag:s4], $0x0  }
0x19: {  	s7 =	sld [smem:$0x3F9E]  }
0x1a: {  	s8 =	sadd.s32 $0xFFFFE003, lr  }
0x1b: {  	s9 =	sadd.s32 $0xFFFFFEF7, lr;
	s5 =	simm.s32 $0xFFFFFFFF;
	p2 =	slt.u32 s8, $0xFFFFF086  }
0x1c: {  	p1 =	slt.u32 s9, $0xF7A;
	s5 =	simm.s32 @!p2 $0x0  }
0x1d: {  	s5 =	simm.s32 @p1 $0x1;
	p0 =	seq.s32 s7, s2  }
0x1e: {  	s7 =	smul.u32 @!p0 $0xF7A, s2;
	p2 =	seq.s32 @!p0 s5, $0x0  }
0x1f: {  	s9 =	smul.u32 $0xF7A, s1;
	s8 =	simm.s32 @!p0 $0x1BF5;
	p2 =	por !p2, p0  }
0x20: {  	[sflag:s8] =	ssyncset.s32 @!p0 $0xFFFFF086;
	s6 =	sadd.s32 @!p0 s3, s7;
	s7 =	simm.s32 @!p0 $0x108  }
0x21: {  	s3 =	sadd.s32 s3, s9;
	s6 =	sadd.s32 @!p0 $0x88, s6;
	s7 =	simm.s32 @p2 $0x1082  }
0x22: {  	[simem:s7], [sflag:s8] =	dma.local @!p0 [hbm:s6], $0xF7A  }
0x23: {  	s9 =	sor.u32 $0xD0000000, s2;
	s6 =	simm.s32 $0x108;
	_ =	swait.ge @!p0 [sflag:s8], $0x0  }
0x24: {  	s3 =	sadd.s32 $0x88, s3;
	s6 =	simm.s32 @!p1 $0x1082;
	[sflag:s4] =	ssyncset.s32 $0xFFFFF086  }
0x25: {  	[simem:s6], [sflag:s4] =	dma.local [hbm:s3], $0xF7A  }
0x26: {  	[smem:$0x3F9E] =	sst s1;
	(tag) =	ssettag s2;
	_ =	strace s9  }
0x27: {  	s1 =	sld [smem:$0x3FAE]  }
0x28: {  	s2 =	sld [smem:$0x3FAF]  }
0x29: {  	s4 =	sld [smem:$0x3FB1]  }
0x2a: {  	p0 =	seq.s32 s5, $0x0;
	s5 =	sld [smem:$0x3FB2]  }
0x2b: {  	s6 =	sld [smem:$0x3FB3]  }
0x2c: {  	s7 =	sld [smem:$0x3FB4]  }
0x2d: {  	s3 =	simm.s32 $0x108;
	s8 =	sld [smem:$0x3FB5]  }
0x2e: {  	s3 =	simm.s32 @!p0 $0x1082;
	s9 =	sld [smem:$0x3FB6]  }
0x2f: {  	lr =	sadd.s32 s0, s3;
	s0 =	sld [smem:$0x3FAD]  }
0x30: {  	s3 =	sld [smem:$0x3FB0]  }
0x31: {  	[smem:$0x3FB9] =	sst s10  }
0x32: {  	s10 =	sld [smem:$0x3FB7];
	_ =	sdelay $0x3  }
0x33: {  	p0 =	seq.s32 s10, $0x1;
	s10 =	sld [smem:$0x3FB9];
	_ =	sdelay $0x3  }
0x34: {  	[smem:$0x3FB9] =	sst s10  }
0x35: {  	s10 =	sld [smem:$0x3FB8];
	_ =	sdelay $0x3  }
0x36: {  	p1 =	seq.s32 s10, $0x1;
	s10 =	sld [smem:$0x3FB9];
	_ =	sdelay $0x3  }
0x37: {  	[smem:$0x3FB9] =	sst s10  }
0x38: {  	s10 =	sld [smem:$0x3FBA]  }
0x39: {  	_ = 	snop;
	(pc) =	sbr.ind lr, $3  }
0x3a: {  	_ = 	snop  }
0x3b: {  	_ = 	snop  }
0x3c: {  	p2 =	seq.s32 s10, $0x1;
	s10 =	sld [smem:$0x3FB9]  }
0x3d: {  	_ =	shalt  }
0x3e: {  	_ =	shalt  }
0x3f: {  	_ =	shalt  }
0x40: {  	_ =	shalt  }
0x41: {  	_ =	shalt  }
0x42: {  	_ =	shalt  }
0x43: {  	_ =	shalt  }
0x44: {  	_ =	shalt  }
0x45: {  	_ =	shalt  }
0x46: {  	_ =	shalt  }
0x47: {  	_ =	shalt  }
0x48: {  	_ =	shalt  }
0x49: {  	_ =	shalt  }
0x4a: {  	_ =	shalt  }
0x4b: {  	_ =	shalt  }
0x4c: {  	_ =	shalt  }
0x4d: {  	_ =	shalt  }
0x4e: {  	_ =	shalt  }
0x4f: {  	_ =	shalt  }
0x50: {  	_ =	shalt  }
0x51: {  	_ =	shalt  }
0x52: {  	_ =	shalt  }
0x53: {  	_ =	shalt  }
0x54: {  	_ =	shalt  }
0x55: {  	_ =	shalt  }
0x56: {  	_ =	shalt  }
0x57: {  	_ =	shalt  }
0x58: {  	_ =	shalt  }
0x59: {  	_ =	shalt  }
0x5a: {  	_ =	shalt  }
0x5b: {  	_ =	shalt  }
0x5c: {  	_ =	shalt  }
0x5d: {  	_ =	shalt  }
0x5e: {  	_ =	shalt  }
0x5f: {  	_ =	shalt  }
0x60: {  	_ =	shalt  }
0x61: {  	_ =	shalt  }
0x62: {  	_ =	shalt  }
0x63: {  	_ =	shalt  }
0x64: {  	_ =	shalt  }
0x65: {  	_ =	shalt  }
0x66: {  	_ =	shalt  }
0x67: {  	_ =	shalt  }
0x68: {  	_ =	shalt  }
0x69: {  	_ =	shalt  }
0x6a: {  	_ =	shalt  }
0x6b: {  	_ =	shalt  }
0x6c: {  	_ =	shalt  }
0x6d: {  	_ =	shalt  }
0x6e: {  	_ =	shalt  }
0x6f: {  	_ =	shalt  }
0x70: {  	_ =	shalt  }
0x71: {  	_ =	shalt  }
0x72: {  	_ =	shalt  }
0x73: {  	_ =	shalt  }
0x74: {  	_ =	shalt  }
0x75: {  	_ =	shalt  }
0x76: {  	_ =	shalt  }
0x77: {  	_ =	shalt  }
0x78: {  	_ =	shalt  }
0x79: {  	_ =	shalt  }
0x7a: {  	_ =	shalt  }
0x7b: {  	_ =	shalt  }
0x7c: {  	_ =	shalt  }
0x7d: {  	_ =	shalt  }
0x7e: {  	_ =	shalt  }
0x7f: {  	_ =	shalt  }
0x80: {  	_ =	shalt  }
0x81: {  	_ =	shalt  }
0x82: {  	_ =	shalt  }
0x83: {  	_ =	shalt  }
0x84: {  	_ =	shalt  }
0x85: {  	_ =	shalt  }
0x86: {  	_ =	shalt  }
0x87: {  	_ =	shalt  }
.Lfunc_end0:
.L_simem_size_0:
called_computation.1_lowered:
.L_overlay_start_0:
0x88: {  	s2 =	sld [smem:$0x3FD9]  }
0x89: {  	s3 =	sld [smem:$0x3FFE];
	_ =	sdelay $0x1  }
0x8a: {  	s1 =	srdreg.scid  }
0x8b: {  	s0 =	sand.u32 $0x1, s1  }
0x8c: {  	s17 =	sshll.u32 s0, $0xA;
	s2 =	sadd.s32 s3, s2  }
0x8d: {  	s2 =	sadd.s32 s2, s17  }
0x8e: {  	[smem:$0x3FC5] =	sst s2  }
0x8f: {  	_ = 	snop  }
0x90: {  	s2 =	sld [smem:$0x3FD0];
	(tm) =	ssettm $0x1  }
0x91: {  	s18 =	sld [smem:$0x3FFB];
	_ =	sdelay $0x3  }
0x92: {  	_ =	strace s18  }
0x93: {  	s3 =	sld [smem:$0x3FFC];
	_ =	sdelay $0x3  }
0x94: {  	_ =	strace s3  }
0x95: {  	s3 =	sld [smem:$0x3FFD];
	_ =	sdelay $0x3  }
0x96: {  	_ =	strace s3  }
0x97: {  	_ =	strace $0x8FFFFFFF  }
0x98: {  	s19 =	sld [smem:$0x3FDB];
	_ =	sdelay $0x1  }
0x99: {  	s4 =	simm.s32 $_scs_section_size  }
0x9a: {  	s5 =	simm.s32 $_size__tile_overlayer_lowered;
	s6 =	simm.s32 $_tile_overlayer_lowered  }
0x9b: {  	s22 =	simm.s32 $0x1BFF;
	s21 =	sshll.u32 s6, $0x1;
	s3 =	sadd.s32 s4, s19  }
0x9c: {  	s7 =	simm.s32 $0x0;
	s20 =	sshll.u32 s5, $0x1;
	s5 =	sadd.s32 s21, s3  }
0x9d: {  	[timem:s7], [sflag:s22] =	dma.local [hbm:s5], s20  }
0x9e: {  	_ =	swait.ge [sflag:s22], s20  }
0x9f: {  	s4 =	ssub.s32 $0x0, s20;
	[sflag:s22] =	ssyncset.done $0x0  }
0xa0: {  	[sflag:s22] =	ssyncadd.s32 s4;
	_ =	sdelay $0x1  }
0xa1: {  	s23 =	simm.s32 $0x1B8B  }
0xa2: {  	_ =	swait.ge [sflag:s23], $0x1  }
0xa3: {  	[sflag:s23] =	ssyncset.done $0x0  }
0xa4: {  	s25 =	simm.s32 $0x1B8E;
	s24 =	sld [smem:$0x3FFE];
	[sflag:s23] =	ssyncadd.s32 $0xFFFFFFFF  }
0xa5: {  	s26 =	simm.s32 $execute0_lowered;
	[smem:$0x3FD2] =	sst s25  }
0xa6: {  	s5 =	sshll.u32 s26, $0x1;
	_ =	strace $0x80000046;
	[dreg:$0x1] =	wrdreg $0xFFFFFFFF  }
0xa7: {  	s28 =	simm.s32 $_size_execute0_lowered;
	s3 =	sadd.s32 s3, s5;
	[dreg:$0x0] =	wrdreg $0x0  }
0xa8: {  	s5 =	sshll.u32 s28, $0x1;
	[dreg:$0x2] =	wrdreg s3  }
0xa9: {  	[dreg:$0x3] =	wrdreg s5  }
0xaa: {  	[dreg:$0x4] =	wrdreg $0xC0  }
0xab: {  	_ =	task [dreg:s7], $0x5FFFF  }
0xac: {  	[dreg:$0x1] =	wrdreg $0xFFFFFFFF  }
0xad: {  	[dreg:$0x0] =	wrdreg $0x60  }
0xae: {  	[dreg:$0x2] =	wrdreg s24  }
0xaf: {  	[dreg:$0x3] =	wrdreg s2  }
0xb0: {  	[dreg:$0x4] =	wrdreg $0x9  }
0xb1: {  	_ =	task.clear_ibuf [dreg:s7], $0x5FFFF;
	_ =	strace $0x90000046  }
0xb2: {  	s29 =	simm.s32 $0x9;
	_ =	strace $0x80000048  }
0xb3: {  	_ =	swait.ge [sflag:s29], $0x1  }
0xb4: {  	[sflag:s29] =	ssyncadd.s32 $0xFFFFFFFF  }
0xb5: {  	_ =	strace $0x90000048  }
0xb6: {  	_ =	sfence  }
0xb7: {  	s30 =	sld [smem:$0x0];
	_ =	sdelay $0x2  }
0xb8: {  	s31 =	sshll.u32 s1, $0xD;
	s1 =	sshrl.u32 s1, $0x2  }
0xb9: {  	s3 =	sand.u32 $0x4000, s31;
	s1 =	sadd.s32 s1, s30  }
0xba: {  	s0 =	sor.u32 s3, s0;
	s1 =	sshll.u32 s1, $0x11  }
0xbb: {  	s0 =	sor.u32 s1, s0  }
0xbc: {  	s0 =	sadd.s32 $0x8F2B, s0  }
0xbd: {  	[sflag:s0] =	ssyncadd.remote.s32 $0x1  }
0xbe: {  	_ =	sfence.sel $0xFFFF  }
0xbf: {  	[dreg:$0x0] =	wrdreg $0xFFFFFFFF;
	(pc) =	sbr.abs _section_cstart, $3  }
0xc0: {  	[dreg:$0x1] =	wrdreg $0xFFFFFFFF  }
0xc1: {  	_ =	task.clear_ibuf [dreg:s7], $0x2FFFF;
	_ =	strace $0x9FFFFFFF  }
0xc2: {  	(tm) =	ssettm $0x7FFFFFFF  }
0xc3: {  	_ =	shalt  }
tec
execute0_lowered:
.L_overlay_start_1:
0x0: {  	(tag) =	ssettag $0x1  }
0x1: {  	s7 =	rddreg [dreg:$0x0]  }
0x2: {  	s1 =	rddreg [dreg:$0x1]  }
0x3: {  	s0 =	rddreg [dreg:$0x2];
	s3 =	simm.s32 $0x0  }
0x4: {  	s4 =	srdreg.scid;
	s2 =	stileid.u32;
	s11 =	simm.s32 $0x2  }
0x5: {  	s12 =	simm.s32 $0x80;
	s13 =	simm.s32 $0x100;
	s14 =	simm.s32 $0x1100  }
0x6: {  	v0 =	vlaneseq.u32;
	s15 =	simm.s32 $0x1;
	s16 =	simm.s32 $0x2100;
	s17 =	simm.s32 $0x0  }
0x7: {  	[smem:$0x7FF] =	sst s3;
	s5 =	sand.u32 $0x1, s4;
	s6 =	sshll.u32 s2, $0x1;
	v0 =	vmul.u32 $0x4, v0  }
0x8: {  	s4 =	sadd.s32 $0x800, s7;
	_ =	strace $0x80000047;
	s8 =	ssub.s32 $0x2, s5  }
0x9: {  	s9 =	sor.u32 s5, s6;
	s5 =	sadd.s32 $0x6C00, s7;
	s10 =	sshrl.u32 s8, $0x1;
	v1 =	vor.u32 $0x1, v0  }
0xa: {  	s7 =	sadd.s32 $0x68800, s7;
	s6 =	smul.u32 $0x1900, s9;
	v2 =	vor.u32 $0x2, v0;
	v3 =	vor.u32 $0x3, v0;
	v4 =	vor.u32 $0x40, v0;
	s10 =	ssub.s32 s8, s10  }
0xb: {  	v5 =	vor.u32 $0x41, v0;
	v6 =	vor.u32 $0x42, v0;
	v7 =	vor.u32 $0x43, v0;
	s8 =	smul.u32 $0xC8000, s9;
	s9 =	smax.u32 s10, $0x1;
	s10 =	simm.s32 $0xA100  }
.LBB2_1:
0xc: {  	[tilespmem:s10], [sflag:$0x2] =	stream.linear.gather [hbm4b:s7+s3], $0x10, $0x38;
	[tilespmem:$0xA110] =	vst v63  }
0xd: {  	_ =	swait.ge [sflag:s11], $0x10  }
0xe: {  	[sflag:s11] =	ssyncset.done $0x0  }
0xf: {  	[sflag:s11] =	ssyncadd.s32 $0xFFFFFFF0  }
0x10: {  	s18 =	simm.s32 $0x0;
	v8 =	vld [tilespmem:$0xA100]  }
.LBB2_2:
0x11: {  	s19 =	sshll.u32 s18, $0x8  }
0x12: {  	s19 =	sadd.s32 s6, s19  }
0x13: {  	s19 =	sshrl.u32 s19, $0x3  }
0x14: {  	s20 =	simm.s32 $0x0;
	s19 =	sadd.s32 s4, s19  }
0x15: {  	[tilespmem:s20], [sflag:$0x2] =	stream.linear.gather [hbm4b:s19+s20], $0x100, $0x38;
	[tilespmem:$0xA110] =	vst v63  }
0x16: {  	_ =	swait.ge [sflag:s11], $0x100  }
0x17: {  	[sflag:s11] =	ssyncset.done $0x0  }
0x18: {  	[sflag:s11] =	ssyncadd.s32 $0xFFFFFF00  }
0x19: {  	[tilespmem:s13], [sflag:$0x1] =	stream.indirect.gather [hbm4b:s5+s12], $0x20, s20, s12, $0xb8;
	[tilespmem:$0xA110] =	vst v63  }
0x1a: {  	_ = 	snop  }
0x1b: {  	[tilespmem:s14], [sflag:$0x1] =	stream.indirect.gather [hbm4b:s5+s12], $0x20, s12, s12, $0xb8;
	[tilespmem:$0xA110] =	vst v63  }
0x1c: {  	_ =	swait.ge [sflag:s15], $0x1000  }
0x1d: {  	[sflag:s15] =	ssyncset.done $0x0  }
0x1e: {  	[sflag:s15] =	ssyncadd.s32 $0xFFFFF000  }
0x1f: {  	_ =	swait.ge [sflag:s15], $0x1000  }
0x20: {  	[sflag:s15] =	ssyncset.done $0x0  }
0x21: {  	s19 =	simm.s32 $0x110;
	[sflag:s15] =	ssyncadd.s32 $0xFFFFF000  }
0x22: {  	v9 =	vld [tilespmem:s19+$0xFFFFFFF0];
	_ =	sdelay $0x3  }
0x23: {  	s21 =	simm.s32 $0x0  }
0x24: {  	v12 =	vor.u32 s21, v1;
	v13 =	vor.u32 s21, v0;
	v10 =	vshll.u32 v9, $0x18  }
0x25: {  	v15 =	vor.u32 s21, v2;
	v11 =	vshll.u32 v9, $0x10;
	v10 =	vshra.s32 v10, $0x18  }
0x26: {  	v14 =	vshll.u32 v9, $0x8;
	v11 =	vshra.s32 v11, $0x18;
	v10 =	vcvt.s32.f32 v10  }
0x27: {  	v16 =	vor.u32 s21, v3;
	v14 =	vshra.s32 v14, $0x18;
	v11 =	vcvt.s32.f32 v11  }
0x28: {  	v9 =	vshra.s32 v9, $0x18;
	v14 =	vcvt.s32.f32 v14;
	v10 =	vmul.f32 v10, v8  }
0x29: {  	v9 =	vcvt.s32.f32 v9;
	v11 =	vmul.f32 v11, v8  }
0x2a: {  	[tilespmem:v13+s16+$0x0] =	vst.idx.msk $0xffff, v10;
	v10 =	vmul.f32 v14, v8  }
0x2b: {  	v9 =	vmul.f32 v9, v8;
	[tilespmem:v12+s16+$0x0] =	vst.idx.msk $0xffff, v11  }
0x2c: {  	[tilespmem:v15+s16+$0x0] =	vst.idx.msk $0xffff, v10  }
0x2d: {  	[tilespmem:v16+s16+$0x0] =	vst.idx.msk $0xffff, v9  }
0x2e: {  	v9 =	vld [tilespmem:s19+$0x0];
	_ =	sdelay $0x4  }
0x2f: {  	v11 =	vshll.u32 v9, $0x18  }
0x30: {  	v10 =	vor.u32 s21, v4;
	v11 =	vshra.s32 v11, $0x18  }
0x31: {  	v12 =	vshll.u32 v9, $0x10;
	v11 =	vcvt.s32.f32 v11  }
0x32: {  	v13 =	vor.u32 s21, v5;
	v14 =	vshll.u32 v9, $0x8;
	v12 =	vshra.s32 v12, $0x18  }
0x33: {  	v9 =	vshra.s32 v9, $0x18;
	v12 =	vcvt.s32.f32 v12;
	v11 =	vmul.f32 v11, v8  }
0x34: {  	v14 =	vshra.s32 v14, $0x18;
	v15 =	vcvt.s32.f32 v9;
	v9 =	vor.u32 s21, v6  }
0x35: {  	v14 =	vcvt.s32.f32 v14;
	v63 =	vmul.f32 v12, v8;
	[tilespmem:v10+s16+$0x0] =	vst.idx.msk $0xffff, v11;
	v10 =	vor.u32 s21, v7;
	_ =	sdelay $0x1  }
0x36: {  	s20 =	simm.s32 $0x1;
	v12 =	vmul.f32 v14, v8;
	v11 =	vmul.f32 v15, v8;
	[tilespmem:v13+s16+$0x0] =	vst.idx.msk $0xffff, v63  }
.LBB2_3:
0x37: {  	p0 =	sne.s32 s20, $0xFF  }
0x38: {  	[tilespmem:v9+s16+$0x0] =	vst.idx.msk $0xffff, v12;
	s19 =	sadd.s32 $0x20, s19;
	s21 =	smov.u32 s20;
	s20 =	sadd.s32 $0x1, s20  }
0x39: {  	[tilespmem:v10+s16+$0x0] =	vst.idx.msk $0xffff, v11  }
0x3a: {  	v9 =	vld [tilespmem:s19+$0xFFFFFFF0];
	_ =	sdelay $0x3  }
0x3b: {  	s21 =	sshll.u32 s21, $0x7  }
0x3c: {  	v12 =	vor.u32 s21, v1;
	v10 =	vshll.u32 v9, $0x18;
	v11 =	vshll.u32 v9, $0x10  }
0x3d: {  	v13 =	vor.u32 s21, v0;
	v10 =	vshra.s32 v10, $0x18;
	v11 =	vshra.s32 v11, $0x18  }
0x3e: {  	v14 =	vshll.u32 v9, $0x8;
	v10 =	vcvt.s32.f32 v10;
	v11 =	vcvt.s32.f32 v11  }
0x3f: {  	v15 =	vor.u32 s21, v2;
	v9 =	vshra.s32 v9, $0x18;
	v14 =	vshra.s32 v14, $0x18  }
0x40: {  	v16 =	vor.u32 s21, v3;
	v14 =	vcvt.s32.f32 v14;
	v10 =	vmul.f32 v10, v8  }
0x41: {  	v9 =	vcvt.s32.f32 v9;
	v11 =	vmul.f32 v11, v8  }
0x42: {  	[tilespmem:v13+s16+$0x0] =	vst.idx.msk $0xffff, v10;
	v10 =	vmul.f32 v14, v8  }
0x43: {  	v9 =	vmul.f32 v9, v8;
	[tilespmem:v12+s16+$0x0] =	vst.idx.msk $0xffff, v11  }
0x44: {  	[tilespmem:v15+s16+$0x0] =	vst.idx.msk $0xffff, v10  }
0x45: {  	[tilespmem:v16+s16+$0x0] =	vst.idx.msk $0xffff, v9  }
0x46: {  	v9 =	vld [tilespmem:s19+$0x0];
	_ =	sdelay $0x3  }
0x47: {  	v13 =	vor.u32 s21, v5;
	v11 =	vor.u32 s21, v4  }
0x48: {  	v10 =	vshll.u32 v9, $0x18;
	v12 =	vshll.u32 v9, $0x10;
	v14 =	vshll.u32 v9, $0x8  }
0x49: {  	v10 =	vshra.s32 v10, $0x18;
	v12 =	vshra.s32 v12, $0x18;
	v14 =	vshra.s32 v14, $0x18  }
0x4a: {  	v15 =	vshra.s32 v9, $0x18;
	v10 =	vcvt.s32.f32 v10;
	v12 =	vcvt.s32.f32 v12  }
.Ltmp0:
0x4b: {  	v9 =	vor.u32 s21, v6;
	v15 =	vcvt.s32.f32 v15;
	v14 =	vcvt.s32.f32 v14;
	(pc) =	sbr.rel @p0 .LBB2_3-.Ltmp0, $4  }
0x4c: {  	v16 =	vmul.f32 v10, v8;
	v10 =	vor.u32 s21, v7  }
0x4d: {  	v17 =	vmul.f32 v12, v8  }
0x4e: {  	v12 =	vmul.f32 v14, v8;
	[tilespmem:v11+s16+$0x0] =	vst.idx.msk $0xffff, v16  }
0x4f: {  	v11 =	vmul.f32 v15, v8;
	[tilespmem:v13+s16+$0x0] =	vst.idx.msk $0xffff, v17  }
0x50: {  	_ =	sdelay $0x1  }
0x51: {  	s19 =	sshll.u32 s18, $0xF  }
0x52: {  	s18 =	sadd.s32 $0x1, s18;
	s19 =	sadd.s32 s8, s19  }
0x53: {  	[tilespmem:v9+s16+$0x0] =	vst.idx.msk $0xffff, v12;
	p0 =	sne.s32 s18, $0x19;
	s19 =	sshrl.u32 s19, $0x3  }
.Ltmp1:
0x54: {  	[tilespmem:v10+s16+$0x0] =	vst.idx.msk $0xffff, v11;
	s19 =	sadd.s32 s1, s19;
	(pc) =	sbr.rel @p0 .LBB2_2-.Ltmp1, $4  }
0x55: {  	[hbm4b:s19+s3] =	stream.linear.scatter [tilespmem:s16], [sflag:$0x2], $0x8000, $0x38;
	[tilespmem:$0xA110] =	vst v63  }
0x56: {  	_ =	swait.ge [sflag:s11], $0x8000  }
0x57: {  	[sflag:s11] =	ssyncset.done $0x0  }
0x58: {  	[sflag:s11] =	ssyncadd.s32 $0xFFFF8000  }
0x59: {  	s17 =	sadd.s32 $0x1, s17  }
0x5a: {  	p0 =	sne.s32 s17, s9  }
.Ltmp2:
0x5b: {  	_ = 	snop;
	(pc) =	sbr.rel @p0 .LBB2_1-.Ltmp2, $1  }
0x5c: {  	_ =	sdelay $0x3  }
0x5d: {  	_ =	sfence.sel $0x180000  }
0x5e: {  	[bflag:$0x0] =	sbarrier.arrive $0xFFFF  }
0x5f: {  	p0 =	sne.s32 s2, $0x0;
	_ =	strace $0x90000047  }
0x60: {  	s0 =	sadd.s32 @!p0 $0x100000, s0;
	[bflag:$0x2] =	sbarrier.arrive $0xFFFF  }
0x61: {  	[sflag:s0] =	ssyncadd.tile.s32 @!p0 $0x1;
	_ =	shalt  }
.Lfunc_end2:
_tile_overlayer_lowered:
.L_overlay_start_2:
0x62: {  	(tag) =	ssettag $0x2  }
0x63: {  	s0 =	rddreg [dreg:$0x0];
	s2 =	stileid.u32  }
0x64: {  	s1 =	rddreg [dreg:$0x1];
	p0 =	sne.s32 s2, $0x0  }
0x65: {  	s3 =	rddreg [dreg:$0x2];
	[bflag:$0x3] =	sbarrier.arrive $0xFFFF;
	s2 =	simm.s32 @!p0 $0x1C02  }
0x66: {  	[timem:s3], [sflag:s2] =	dma.local @!p0 [hbm:s0], s1  }
0x67: {  	s0 =	simm.s32 @!p0 $0x2  }
0x68: {  	_ =	swait.ge @!p0 [sflag:s0], s1  }
0x69: {  	s1 =	ssub.s32 @!p0 $0x0, s1;
	[sflag:s0] =	ssyncset.done @!p0 $0x0  }
0x6a: {  	[sflag:s0] =	ssyncadd.s32 @!p0 s1  }
0x6b: {  	[bflag:$0x3] =	sbarrier.arrive $0xFFFF  }
0x6c: {  	_ =	shalt  }

// kernel: sparse-core-data-format-call.cloned.1.call-start
scs
called_computation_lowered:
.L_overlay_start_0:
0x0: {  	s2 =	sld [smem:$0x3FD9]  }
0x1: {  	s3 =	sld [smem:$0x3FFE];
	_ =	sdelay $0x1  }
0x2: {  	s1 =	srdreg.scid  }
0x3: {  	s0 =	sand.u32 $0x1, s1  }
0x4: {  	s18 =	sshll.u32 s0, $0xA;
	s2 =	sadd.s32 s3, s2  }
0x5: {  	s2 =	sadd.s32 s2, s18  }
0x6: {  	[smem:$0x3FC5] =	sst s2  }
0x7: {  	_ = 	snop  }
0x8: {  	s2 =	sld [smem:$0x3FD0];
	(tm) =	ssettm $0x1  }
0x9: {  	s19 =	sld [smem:$0x3FFB];
	_ =	sdelay $0x3  }
0xa: {  	_ =	strace s19  }
0xb: {  	s3 =	sld [smem:$0x3FFC];
	_ =	sdelay $0x3  }
0xc: {  	_ =	strace s3  }
0xd: {  	s3 =	sld [smem:$0x3FFD];
	_ =	sdelay $0x3  }
0xe: {  	_ =	strace s3  }
0xf: {  	_ =	strace $0x8FFFFFFF  }
0x10: {  	s20 =	sld [smem:$0x3FDB];
	_ =	sdelay $0x1  }
0x11: {  	s4 =	simm.s32 $_scs_section_size  }
0x12: {  	s5 =	simm.s32 $_size__tile_overlayer_lowered;
	s6 =	simm.s32 $_tile_overlayer_lowered  }
0x13: {  	s23 =	simm.s32 $0x1BFF;
	s22 =	sshll.u32 s6, $0x1;
	s3 =	sadd.s32 s4, s20  }
0x14: {  	s7 =	simm.s32 $0x0;
	s21 =	sshll.u32 s5, $0x1;
	s5 =	sadd.s32 s22, s3  }
0x15: {  	[timem:s7], [sflag:s23] =	dma.local [hbm:s5], s21  }
0x16: {  	_ =	swait.ge [sflag:s23], s21  }
0x17: {  	s4 =	ssub.s32 $0x0, s21;
	[sflag:s23] =	ssyncset.done $0x0  }
0x18: {  	[sflag:s23] =	ssyncadd.s32 s4;
	_ =	sdelay $0x1  }
0x19: {  	s24 =	simm.s32 $0x1B8B  }
0x1a: {  	_ =	swait.ge [sflag:s24], $0x1  }
0x1b: {  	[sflag:s24] =	ssyncset.done $0x0  }
0x1c: {  	s26 =	simm.s32 $0x1B8E;
	s25 =	sld [smem:$0x3FFE];
	[sflag:s24] =	ssyncadd.s32 $0xFFFFFFFF  }
0x1d: {  	s27 =	simm.s32 $execute0_lowered;
	[smem:$0x3FD2] =	sst s26  }
0x1e: {  	s5 =	sshll.u32 s27, $0x1;
	_ =	strace $0x80000049;
	[dreg:$0x1] =	wrdreg $0xFFFFFFFF  }
0x1f: {  	s28 =	simm.s32 $_size_execute0_lowered;
	s3 =	sadd.s32 s3, s5;
	[dreg:$0x0] =	wrdreg $0x0  }
0x20: {  	s5 =	sshll.u32 s28, $0x1;
	[dreg:$0x2] =	wrdreg s3  }
0x21: {  	[dreg:$0x3] =	wrdreg s5  }
0x22: {  	[dreg:$0x4] =	wrdreg $0xC0  }
0x23: {  	_ =	task [dreg:s7], $0x5FFFF  }
0x24: {  	[dreg:$0x1] =	wrdreg $0xFFFFFFFF  }
0x25: {  	[dreg:$0x0] =	wrdreg $0x60  }
0x26: {  	[dreg:$0x2] =	wrdreg s25  }
0x27: {  	[dreg:$0x3] =	wrdreg s2  }
0x28: {  	[dreg:$0x4] =	wrdreg $0x9  }
0x29: {  	_ =	task.clear_ibuf [dreg:s7], $0x5FFFF;
	_ =	strace $0x90000049  }
0x2a: {  	s29 =	simm.s32 $0x9;
	_ =	strace $0x8000004B  }
0x2b: {  	_ =	swait.ge [sflag:s29], $0x1  }
0x2c: {  	[sflag:s29] =	ssyncadd.s32 $0xFFFFFFFF  }
0x2d: {  	_ =	strace $0x9000004B  }
0x2e: {  	_ =	sfence  }
0x2f: {  	s30 =	sld [smem:$0x0];
	_ =	sdelay $0x2  }
0x30: {  	s31 =	sshll.u32 s1, $0xD;
	s1 =	sshrl.u32 s1, $0x2  }
0x31: {  	s3 =	sand.u32 $0x4000, s31;
	s1 =	sadd.s32 s1, s30  }
0x32: {  	s0 =	sor.u32 s3, s0;
	s1 =	sshll.u32 s1, $0x11  }
0x33: {  	s0 =	sor.u32 s1, s0  }
0x34: {  	s0 =	sadd.s32 $0x8F2B, s0  }
0x35: {  	[sflag:s0] =	ssyncadd.remote.s32 $0x1  }
0x36: {  	_ =	sfence.sel $0xFFFF  }
0x37: {  	[dreg:$0x0] =	wrdreg $0xFFFFFFFF;
	(pc) =	sbr.abs _section_cstart, $3  }
0x38: {  	[dreg:$0x1] =	wrdreg $0xFFFFFFFF  }
0x39: {  	_ =	task.clear_ibuf [dreg:s7], $0x2FFFF;
	_ =	strace $0x9FFFFFFF  }
0x3a: {  	(tm) =	ssettm $0x7FFFFFFF  }
0x3b: {  	_ =	shalt  }
tec
execute0_lowered:
.L_overlay_start_1:
0x0: {  	(tag) =	ssettag $0x1  }
0x1: {  	s0 =	srdreg.scid  }
0x2: {  	s1 =	sshll.u32 s0, $0x4  }
0x3: {  	s0 =	stileid.u32;
	s1 =	sand.u32 $0x10, s1  }
0x4: {  	s1 =	sor.u32 s0, s1  }
0x5: {  	s6 =	rddreg [dreg:$0x0];
	s4 =	simm.s32 $0x1;
	s2 =	sshll.u32 s1, $0x6  }
0x6: {  	s7 =	simm.s32 $0x2;
	s13 =	simm.s32 $0x0;
	s1 =	ssub.s32 $0x1000, s2  }
0x7: {  	s8 =	simm.s32 $0x2000;
	s9 =	simm.s32 $0x80000;
	s3 =	sand.u32 $0x7C0, s1  }
0x8: {  	s14 =	simm.s32 $0x0;
	s5 =	sshrl.u32 s1, $0xB;
	p0 =	sne.s32 s3, $0x0  }
.Ltmp0:
0x9: {  	s1 =	rddreg [dreg:$0x2];
	s4 =	simm.s32 @!p0 $0x0;
	(pc) =	sbr.rel .LBB1_1-.Ltmp0, $4  }
0xa: {  	s10 =	simm.s32 $0x0;
	s3 =	rddreg [dreg:$0x1];
	s5 =	sadd.s32 s4, s5  }
0xb: {  	_ =	strace $0x8000004A;
	s4 =	simm.s32 $0x1;
	s5 =	smul.u32 $0x19, s5  }
0xc: {  	s12 =	simm.s32 $0x0;
	s6 =	sadd.s32 $0x800, s6;
	[sflag:s4] =	ssyncpa.u1 $0x0  }
0xd: {  	s11 =	smov.u32 s2;
	[sflag:s7] =	ssyncpa.u1 $0x0;
	s7 =	sadd.s32 $0x1, s5  }
.LBB1_7:
0xe: {  	s15 =	sadd.s32 $0x2, s10  }
0xf: {  	s13 =	sadd.s32 $0x800, s11;
	s17 =	smov.u32 s11;
	p1 =	sgt.s32 s15, $0x31  }
0x10: {  	s17 =	smov.u32 @p1 s13  }
0x11: {  	s15 =	simm.s32 @p1 $0x0;
	p1 =	sgt.s32 s17, $0xFFF  }
0x12: {  	s17 =	smov.u32 @p1 s2;
	p1 =	sne.s32 s12, s7  }
.Ltmp1:
0x13: {  	p0 =	slt.u32 s12, $0x2;
	(pc) =	sbr.rel @!p1 .LBB1_8-.Ltmp1, $4  }
0x14: {  	s16 =	simm.s32 @!p0 $0x2  }
0x15: {  	s14 =	smov.u32 s11;
	_ =	swait.ge @!p0 [sflag:s16], $0x4000  }
0x16: {  	s13 =	smov.u32 s10;
	[sflag:s16] =	ssyncset.done @!p0 $0x0;
	s10 =	smov.u32 s15  }
0x17: {  	s12 =	sadd.s32 $0x1, s12;
	[sflag:s16] =	ssyncadd.s32 @!p0 $0xFFFFC000;
	s11 =	smov.u32 s17  }
.LBB1_1:
0x18: {  	p0 =	sge.u32 s12, s5  }
0x19: {  	s15 =	sand.u32 @!p0 $0x1FFFFFF, s10  }
0x1a: {  	s16 =	smulhi.u32 @!p0 $0x4924925, s15;
	_ =	sdelay $0x1  }
0x1b: {  	s16 =	smul.u32 @!p0 $0x38, s16  }
0x1c: {  	s17 =	sxor.u32 @!p0 $0xFFFFFFFF, s12;
	s18 =	smul.u32 @!p0 $0x380, s11  }
0x1d: {  	s31 =	sadd.s32 $0xFFFFFFFF, s12;
	s17 =	sshll.u32 @!p0 s17, $0xE;
	s15 =	ssub.s32 @!p0 s15, s16  }
0x1e: {  	s16 =	sand.u32 @!p0 $0x4000, s17;
	s17 =	sadd.s32 @!p0 s6, s18;
	s15 =	sshll.u32 @!p0 s15, $0x4  }
0x1f: {  	s18 =	simm.s32 @!p0 $0x1C00;
	s15 =	sadd.s32 @!p0 s15, s17;
	s17 =	simm.s32 @!p0 $0x100  }
0x20: {  	[tilespmem:s16], [sflag:$0x1] =	stream.strided.gather @!p0 [hbm4b:s15+s17], $0x4000, s18, s17, $0x38;
	[tilespmem:$0x10000] =	vst v63  }
0x21: {  	p0 =	sge.u32 s31, s5  }
.Ltmp2:
0x22: {  	_ = 	snop;
	(pc) =	sbr.rel @p0 .LBB1_7-.Ltmp2, $1  }
0x23: {  	_ =	sdelay $0x3  }
0x24: {  	_ =	swait.ge [sflag:s4], $0x4000;
	s15 =	sshll.u32 s12, $0xE  }
0x25: {  	[sflag:s4] =	ssyncset.done $0x0;
	s16 =	sand.u32 $0x4000, s15  }
0x26: {  	s17 =	simm.s32 $0x0;
	[sflag:s4] =	ssyncadd.s32 $0xFFFFC000;
	s15 =	sor.u32 $0x8000, s16  }
.LBB1_3:
0x27: {  	s18 =	sshll.u32 s17, $0x8  }
0x28: {  	s18 =	sand.u32 $0x3FFFFF00, s18  }
0x29: {  	s19 =	sshll.u32 s17, $0x7;
	s18 =	sadd.s32 s18, s16  }
0x2a: {  	s19 =	sand.u32 $0x3FFFFF80, s19;
	v0 =	vmov s18  }
0x2b: {  	s19 =	sadd.s32 s19, s15  }
0x2c: {  	p0 =	por $0x1, $0x1;
	v1 =	vmov s19;
	s18 =	simm.s32 $0x0  }
.LBB1_4:
0x2d: {  	s19 =	sshll.u32 s18, $0x7  }
0x2e: {  	s19 =	sand.u32 $0x3FFFFF80, s19  }
0x2f: {  	v2 =	vld.idx.msk [tilespmem:v0+s19+$0x0 ss:$0x1], $0xffff  }
0x30: {  	v3 =	vld.idx.msk [tilespmem:v0+s19+$0x10 ss:$0x1], $0xffff  }
0x31: {  	v4 =	vld.idx.msk [tilespmem:v0+s19+$0x20 ss:$0x1], $0xffff  }
0x32: {  	s31 =	sshll.u32 s18, $0xD;
	v5 =	vld.idx.msk [tilespmem:v0+s19+$0x30 ss:$0x1], $0xffff  }
0x33: {  	s18 =	sand.u32 $0x3FFFE000, s31;
	v6 =	vld.idx.msk [tilespmem:v0+s19+$0x40 ss:$0x1], $0xffff  }
0x34: {  	v63 =	vld.idx.msk [tilespmem:v0+s19+$0x70 ss:$0x1], $0xffff;
	[tilespmem:v1+s18+$0x0 ss:$0x1] =	vst.idx.msk $0xffff, v2  }
0x35: {  	v2 =	vld.idx.msk [tilespmem:v0+s19+$0x50 ss:$0x1], $0xffff;
	[tilespmem:v1+s18+$0x10 ss:$0x1] =	vst.idx.msk $0xffff, v3  }
0x36: {  	p1 =	por p0, p0;
	v3 =	vld.idx.msk [tilespmem:v0+s19+$0x60 ss:$0x1], $0xffff;
	[tilespmem:v1+s18+$0x20 ss:$0x1] =	vst.idx.msk $0xffff, v4  }
.Ltmp3:
0x37: {  	[tilespmem:v1+s18+$0x30 ss:$0x1] =	vst.idx.msk $0xffff, v5;
	(pc) =	sbr.rel @p1 .LBB1_4-.Ltmp3, $4  }
0x38: {  	[tilespmem:v1+s18+$0x40 ss:$0x1] =	vst.idx.msk $0xffff, v6  }
0x39: {  	[tilespmem:v1+s18+$0x70 ss:$0x1] =	vst.idx.msk $0xffff, v63  }
0x3a: {  	[tilespmem:v1+s18+$0x50 ss:$0x1] =	vst.idx.msk $0xffff, v2  }
0x3b: {  	p0 =	por $0x0, $0x0;
	[tilespmem:v1+s18+$0x60 ss:$0x1] =	vst.idx.msk $0xffff, v3;
	s18 =	simm.s32 $0x1  }
0x3c: {  	s17 =	sadd.s32 $0x1, s17  }
0x3d: {  	p0 =	sne.s32 s17, $0x40  }
.Ltmp4:
0x3e: {  	_ = 	snop;
	(pc) =	sbr.rel @p0 .LBB1_3-.Ltmp4, $1  }
0x3f: {  	_ =	sdelay $0x3  }
.Ltmp5:
0x40: {  	s14 =	sshll.u32 s14, $0x4;
	(pc) =	sbr.rel .LBB1_7-.Ltmp5, $4  }
0x41: {  	s14 =	sand.u32 $0xFFF0, s14  }
0x42: {  	s13 =	sshll.u32 s13, $0x10;
	s14 =	sadd.s32 s3, s14  }
0x43: {  	s13 =	sadd.s32 s13, s14  }
0x44: {  	[hbm4b:s13+s8] =	stream.strided.scatter [tilespmem:s15], [sflag:$0x2], $0x4000, s9, s8, $0x38;
	[tilespmem:$0x10000] =	vst v63  }
.LBB1_8:
0x45: {  	_ =	sfence.sel $0x180000  }
0x46: {  	s2 =	simm.s32 $0x1;
	[bflag:$0x0] =	sbarrier.arrive $0xFFFF  }
0x47: {  	s31 =	simm.s32 $0x2;
	[sflag:s2] =	ssyncpa.u1 $0x1  }
0x48: {  	[sflag:s31] =	ssyncpa.u1 $0x1  }
0x49: {  	p0 =	sne.s32 s0, $0x0;
	_ =	strace $0x9000004A  }
0x4a: {  	s0 =	sadd.s32 @!p0 $0x100000, s1;
	[bflag:$0x2] =	sbarrier.arrive $0xFFFF  }
0x4b: {  	[sflag:s0] =	ssyncadd.tile.s32 @!p0 $0x1;
	_ =	shalt  }
.Lfunc_end1:
_tile_overlayer_lowered:
.L_overlay_start_2:
0x4c: {  	(tag) =	ssettag $0x2  }
0x4d: {  	s0 =	rddreg [dreg:$0x0];
	s2 =	stileid.u32  }
0x4e: {  	s1 =	rddreg [dreg:$0x1];
	p0 =	sne.s32 s2, $0x0  }
0x4f: {  	s3 =	rddreg [dreg:$0x2];
	[bflag:$0x3] =	sbarrier.arrive $0xFFFF;
	s2 =	simm.s32 @!p0 $0x1C01  }
0x50: {  	[timem:s3], [sflag:s2] =	dma.local @!p0 [hbm:s0], s1  }
0x51: {  	s0 =	simm.s32 @!p0 $0x1  }
0x52: {  	_ =	swait.ge @!p0 [sflag:s0], s1  }
0x53: {  	s1 =	ssub.s32 @!p0 $0x0, s1;
	[sflag:s0] =	ssyncset.done @!p0 $0x0  }
0x54: {  	[sflag:s0] =	ssyncadd.s32 @!p0 s1  }
0x55: {  	[bflag:$0x3] =	sbarrier.arrive $0xFFFF  }
0x56: {  	_ =	shalt  }

</sc_bundles>
